<compile_context>
chip_gen: v7x
topology: tpu7x:2x2x1
jax: 0.10.2.dev20260603
libtpu: 0.0.44.dev20260713+nightly
codegen_flags: <defaults>
</compile_context>

<pallas_src>
import functools

import jax
import jax.numpy as jnp
from jax import lax
from jax.experimental import pallas as pl
from jax.experimental.pallas import tpu as pltpu
from jax.experimental.pallas import tpu_sc as plsc

_NC = 2
_NS = 16
_NW = _NC * _NS
_K = 128
_SPLIT0 = 0.35

def _dot(a, b):
    return jnp.dot(a, b, preferred_element_type=jnp.float32)



def _ini_body(x_ref, w1_ref, b1_ref, w2_ref, b2_ref, out_ref):
    h = jnp.maximum(_dot(x_ref[...], w1_ref[...]) + b1_ref[...], 0.0)
    out_ref[...] = _dot(h, w2_ref[...]) + b2_ref[...]


def _layer_body(n_nodes, h_ref, agg_ref, w1_ref, b1_ref, w2_ref, b2_ref,
                gamma_ref, beta_ref, acc_ref, lw_ref, hout_ref, accout_ref):
    z = h_ref[...] + agg_ref[0, :n_nodes, :] + agg_ref[1, :n_nodes, :]
    z = jnp.maximum(_dot(z, w1_ref[...]) + b1_ref[...], 0.0)
    z = _dot(z, w2_ref[...]) + b2_ref[...]
    z = jnp.maximum(z, 0.0)
    mean = jnp.mean(z, axis=0, keepdims=True)
    zc = z - mean
    var = jnp.mean(zc * zc, axis=0, keepdims=True)
    hn = (z - mean) / jnp.sqrt(var + 1e-5) * gamma_ref[...] + beta_ref[...]
    hout_ref[...] = hn
    accout_ref[...] = acc_ref[...] + lw_ref[0, 0] * hn


def _pool_body(n_graphs, acc_ref, batch_ref, lb_ref, out_ref):
    n = acc_ref.shape[0]
    gids = lax.broadcasted_iota(jnp.int32, (n_graphs, n), 0)
    onehot = (gids == batch_ref[...]).astype(jnp.float32)
    out_ref[...] = jnp.dot(onehot, acc_ref[...] + lb_ref[0, 0],
                           preferred_element_type=jnp.float32,
                           precision=lax.Precision.HIGHEST)



@functools.partial(jax.jit, static_argnums=(4, 5, 6))
def _sc_scatter_add(h, src_t, dst_t, zrows, n_pad, c0, c1):
    dim = h.shape[1]
    rows_per_tile = n_pad // _NS
    c_max = max(c0, c1)
    mesh = plsc.VectorSubcoreMesh(core_axis_name="c", subcore_axis_name="s")

    @functools.partial(
        pl.kernel,
        out_type=jax.ShapeDtypeStruct((_NC, n_pad, dim), jnp.float32),
        mesh=mesh,
        scratch_types=[
            pltpu.VMEM((c_max, _K), jnp.int32),
            pltpu.VMEM((c_max, _K), jnp.int32),
            pltpu.VMEM((_K, dim), jnp.float32),
            pltpu.VMEM_SHARED((n_pad, dim), jnp.float32),
            pltpu.SemaphoreType.DMA,
        ],
    )
    def scatter_kernel(h_hbm, src_hbm, dst_hbm, z_hbm, out_hbm,
                       src_v, dst_v, buf, agg_sh, sem):
        cid = lax.axis_index("c")
        sid = lax.axis_index("s")
        wid = cid * _NS + sid
        pltpu.sync_copy(src_hbm.at[wid], src_v)
        pltpu.sync_copy(dst_hbm.at[wid], dst_v)
        pltpu.sync_copy(z_hbm, agg_sh.at[pl.ds(sid * rows_per_tile, rows_per_tile)])
        plsc.subcore_barrier()

        n_chunks = jnp.where(cid == 0, c0, c1)

        @pl.loop(0, n_chunks)
        def _(j):
            pltpu.async_copy(h_hbm.at[src_v.at[j]], buf, sem).wait()
            pltpu.sync_copy(buf, agg_sh.at[dst_v.at[j]], add=True)

        plsc.subcore_barrier()
        pltpu.sync_copy(
            agg_sh.at[pl.ds(sid * rows_per_tile, rows_per_tile)],
            out_hbm.at[cid, pl.ds(sid * rows_per_tile, rows_per_tile)])

    return scatter_kernel(h, src_t, dst_t, zrows)



def kernel(x, edge_index, batch, percent, W_e1, b_e1, W_e2, b_e2,
           Wg1, bg1, Wg2, bg2, gamma, beta, layer_w, layer_b):
    n, df = x.shape
    dim = W_e1.shape[1]
    e = edge_index.shape[1]
    n_layers = Wg1.shape[0]
    n_graphs = 64

    total_chunks = -(-e // _K)
    c0 = max(1, round(total_chunks * _SPLIT0 / _NS))
    c1 = max(1, -(-(e - _NS * c0 * _K) // (_NS * _K)))
    c_max = max(c0, c1)
    e_pad = _NS * (c0 + c1) * _K
    n_pad = -(-(n + 1) // (_NS * 8)) * (_NS * 8)

    src = edge_index[0]
    dst = edge_index[1]
    pad = e_pad - e

    def tile_layout(ids, fill):
        idsp = jnp.concatenate([ids, jnp.full((pad,), fill, jnp.int32)])
        split = _NS * c0 * _K
        t0 = idsp[:split].reshape(_NS, c0, _K)
        t0 = jnp.concatenate(
            [t0, jnp.full((_NS, c_max - c0, _K), fill, jnp.int32)], axis=1)
        t1 = idsp[split:].reshape(_NS, c1, _K)
        t1 = jnp.concatenate(
            [t1, jnp.full((_NS, c_max - c1, _K), fill, jnp.int32)], axis=1)
        return jnp.concatenate([t0, t1], axis=0)

    src_t = tile_layout(src, 0)
    dst_t = tile_layout(dst, n)
    zrows = jnp.zeros((n_pad // _NS, dim), jnp.float32)

    f32 = jnp.float32
    h = pl.pallas_call(
        _ini_body,
        out_shape=jax.ShapeDtypeStruct((n, dim), f32),
    )(x, W_e1, b_e1.reshape(1, dim), W_e2, b_e2.reshape(1, dim))

    acc = jnp.zeros((n, dim), f32)
    layer_fn = pl.pallas_call(
        functools.partial(_layer_body, n),
        out_shape=(jax.ShapeDtypeStruct((n, dim), f32),
                   jax.ShapeDtypeStruct((n, dim), f32)),
    )
    for i in range(n_layers):
        agg = _sc_scatter_add(h, src_t, dst_t, zrows, n_pad, c0, c1)
        h, acc = layer_fn(h, agg, Wg1[i], bg1[i].reshape(1, dim),
                          Wg2[i], bg2[i].reshape(1, dim),
                          gamma[i].reshape(1, dim), beta[i].reshape(1, dim),
                          acc, layer_w[i].reshape(1, 1))

    out = pl.pallas_call(
        functools.partial(_pool_body, n_graphs),
        out_shape=jax.ShapeDtypeStruct((n_graphs, dim), f32),
    )(acc, batch.reshape(1, n), layer_b.reshape(1, 1))
    return out

# --- scband reference (transcript-rebuilt; emitter-appended) ---
"""Pipeline reference for scband-encoder-36850819400314 (READ-ONLY COPY).

The authoritative reference and input builder live on the scoring server;
editing this copy changes nothing except your own understanding.
"""

import jax, jax.numpy as jnp
import numpy as np

N = 10000
E = 320000
DF = 128
DIM = 128
L = 3
G = 64

def setup_inputs(seed: int = 0):
    key = jax.random.key(seed)
    ks = jax.random.split(key, 20)
    s = 0.05
    inp = {}
    inp["x"] = jax.random.normal(ks[0], (N, DF), dtype=jnp.float32)
    inp["edge_index"] = jax.random.randint(ks[1], (2, E), 0, N, dtype=jnp.int32)
    inp["batch"] = jnp.sort(jax.random.randint(ks[2], (N,), 0, G, dtype=jnp.int32))
    inp["percent"] = 0
    inp["W_e1"] = jax.random.normal(ks[3], (DF, DIM), dtype=jnp.float32) * s
    inp["b_e1"] = jnp.zeros((DIM,), dtype=jnp.float32)
    inp["W_e2"] = jax.random.normal(ks[4], (DIM, DIM), dtype=jnp.float32) * s
    inp["b_e2"] = jnp.zeros((DIM,), dtype=jnp.float32)
    inp["Wg1"] = jax.random.normal(ks[5], (L, DIM, DIM), dtype=jnp.float32) * s
    inp["bg1"] = jnp.zeros((L, DIM), dtype=jnp.float32)
    inp["Wg2"] = jax.random.normal(ks[6], (L, DIM, DIM), dtype=jnp.float32) * s
    inp["bg2"] = jnp.zeros((L, DIM), dtype=jnp.float32)
    inp["gamma"] = jnp.ones((L, DIM), dtype=jnp.float32)
    inp["beta"] = jnp.zeros((L, DIM), dtype=jnp.float32)
    inp["layer_w"] = jax.random.normal(ks[7], (L,), dtype=jnp.float32) * s
    inp["layer_b"] = jnp.zeros((), dtype=jnp.float32)
    return inp

def _forward(x, W_e1, b_e1, W_e2, b_e2, Wg1, bg1, Wg2, bg2, gamma, beta, layer_w, layer_b, edge_index, batch):
    # ini_embed: Linear -> ReLU -> Linear
    h = jax.nn.relu(x @ W_e1 + b_e1) @ W_e2 + b_e2
    src = edge_index[0]
    dst = edge_index[1]
    embeds = []
    for i in range(L):
        # GINConv (eps=0): mlp(x + sum_{j in N(i)} x_j); messages flow src -> dst
        agg = jnp.zeros((N, DIM), dtype=h.dtype).at[dst].add(h[src])
        z = h + agg
        z = jax.nn.relu(z @ Wg1[i] + bg1[i]) @ Wg2[i] + bg2[i]
        # F.relu after conv
        z = jax.nn.relu(z)
        # BatchNorm1d (training-mode batch statistics, biased var, eps=1e-5)
        mean = jnp.mean(z, axis=0)
        var = jnp.var(z, axis=0)
        h = (z - mean) / jnp.sqrt(var + 1e-5) * gamma[i] + beta[i]
        embeds.append(h)
    # stack -> [N, L, DIM, 1]; Conv2d(L, 1, (1,1)) == weighted sum over layer channels + bias
    stacked = jnp.stack(embeds, axis=1)
    pos_global_node = jnp.einsum('nld,l->nd', stacked, layer_w) + layer_b
    # global_add_pool over graphs in the batch
    pos_global_graph = jax.ops.segment_sum(pos_global_node, batch, num_segments=G)
    return pos_global_graph

def reference(x, edge_index, batch, percent, W_e1, b_e1, W_e2, b_e2, Wg1, bg1, Wg2, bg2, gamma, beta, layer_w, layer_b):
    # percent is falsy (0); mode='TS' side computations (subgraph partition/reorder)
    # do not contribute to the returned pos_global_graph, so the returned math is exact.
    return _forward(x, W_e1, b_e1, W_e2, b_e2, Wg1, bg1, Wg2, bg2, gamma, beta, layer_w, layer_b, edge_index, batch)

if __name__ == "__main__":
    import jax
    _d = setup_inputs()
    print(jax.jit(kernel)(*tuple(_d.values())))

</pallas_src>

<mosaic_0001>
#map = affine_map<(d0, d1) -> (0, 0)>
#map1 = affine_map<(d0, d1) -> (0, 0, 0)>
module attributes {stable_mosaic.version = 14 : i64} {
  func.func @scatter_kernel(%arg0: i32, %arg1: i32, %arg2: memref<10000x128xf32, #tpu.memory_space<hbm>>, %arg3: memref<32x102x128xi32, #tpu.memory_space<hbm>>, %arg4: memref<32x102x128xi32, #tpu.memory_space<hbm>>, %arg5: memref<632x128xf32, #tpu.memory_space<hbm>>, %arg6: memref<2x10112x128xf32, #tpu.memory_space<hbm>>, %arg7: memref<102x128xi32, #tpu.memory_space<vmem>>, %arg8: memref<102x128xi32, #tpu.memory_space<vmem>>, %arg9: memref<128x128xf32, #tpu.memory_space<vmem>>, %arg10: memref<10112x128xf32, #tpu.memory_space<vmem_shared>>, %arg11: memref<!tpu.dma_semaphore, #tpu.memory_space<semaphore_mem>>) attributes {dimension_semantics = [#tpu.dimension_semantics<core_parallel>, #tpu.dimension_semantics<subcore_parallel>], iteration_bounds = array<i64: 2, 16>, scalar_prefetch = 0 : i64, scratch_operands = 5 : i64, tpu.core_type = #tpu.core_type<sc_vector_subcore>, window_params = [{transform_indices = #map}, {transform_indices = #map1}, {transform_indices = #map1}, {transform_indices = #map}, {transform_indices = #map1}]} {
    %mul3A = arith.constant 16 : i32
    %mul3A_0 = arith.muli %arg0, %mul3A : i32
    %add3A = arith.addi %mul3A_0, %arg1 : i32
    "tpu.region"() ({
      %run_scoped3A = tpu.sem_alloc : memref<!tpu.dma_semaphore, #tpu.memory_space<semaphore_mem>>
      %dma_start3A = arith.constant 0 : i32
      %dma_start3A_26 = arith.constant 0 : i32
      %dma_start3A_27 = tpu.memref_slice %arg3[%add3A, %dma_start3A, %dma_start3A_26] : memref<32x102x128xi32, #tpu.memory_space<hbm>> -> memref<1x102x128xi32, #tpu.memory_space<hbm>>
      %dma_start3A_28 = tpu.memref_squeeze %dma_start3A_27 : memref<1x102x128xi32, #tpu.memory_space<hbm>> -> memref<102x128xi32, #tpu.memory_space<hbm>>
      %dma_start3A_29 = arith.constant 0 : i32
      %dma_start3A_30 = arith.constant 0 : i32
      %dma_start3A_31 = tpu.memref_slice %arg3[%add3A, %dma_start3A_29, %dma_start3A_30] : memref<32x102x128xi32, #tpu.memory_space<hbm>> -> memref<1x102x128xi32, #tpu.memory_space<hbm>>
      %dma_start3A_32 = tpu.memref_squeeze %dma_start3A_31 : memref<1x102x128xi32, #tpu.memory_space<hbm>> -> memref<102x128xi32, #tpu.memory_space<hbm>>
      tpu.enqueue_dma source(%dma_start3A_32 : memref<102x128xi32, #tpu.memory_space<hbm>>) target(%arg7 : memref<102x128xi32, #tpu.memory_space<vmem>>) target_semaphore(%run_scoped3A : memref<!tpu.dma_semaphore, #tpu.memory_space<semaphore_mem>>)
      %dma_wait3A = arith.constant 0 : i32
      %dma_wait3A_33 = arith.constant 0 : i32
      %dma_wait3A_34 = tpu.memref_slice %arg3[%add3A, %dma_wait3A, %dma_wait3A_33] : memref<32x102x128xi32, #tpu.memory_space<hbm>> -> memref<1x102x128xi32, #tpu.memory_space<hbm>>
      %dma_wait3A_35 = tpu.memref_squeeze %dma_wait3A_34 : memref<1x102x128xi32, #tpu.memory_space<hbm>> -> memref<102x128xi32, #tpu.memory_space<hbm>>
      %dma_wait3A_36 = arith.constant 0 : i32
      %dma_wait3A_37 = arith.constant 0 : i32
      %dma_wait3A_38 = tpu.memref_slice %arg3[%add3A, %dma_wait3A_36, %dma_wait3A_37] : memref<32x102x128xi32, #tpu.memory_space<hbm>> -> memref<1x102x128xi32, #tpu.memory_space<hbm>>
      %dma_wait3A_39 = tpu.memref_squeeze %dma_wait3A_38 : memref<1x102x128xi32, #tpu.memory_space<hbm>> -> memref<102x128xi32, #tpu.memory_space<hbm>>
      tpu.wait_dma2 semaphore(%run_scoped3A : memref<!tpu.dma_semaphore, #tpu.memory_space<semaphore_mem>>) src(%dma_wait3A_39 : memref<102x128xi32, #tpu.memory_space<hbm>>) dst(%arg7 : memref<102x128xi32, #tpu.memory_space<vmem>>)
      tpu.yield
    }) : () -> ()
    "tpu.region"() ({
      %run_scoped3A = tpu.sem_alloc : memref<!tpu.dma_semaphore, #tpu.memory_space<semaphore_mem>>
      %dma_start3A = arith.constant 0 : i32
      %dma_start3A_26 = arith.constant 0 : i32
      %dma_start3A_27 = tpu.memref_slice %arg4[%add3A, %dma_start3A, %dma_start3A_26] : memref<32x102x128xi32, #tpu.memory_space<hbm>> -> memref<1x102x128xi32, #tpu.memory_space<hbm>>
      %dma_start3A_28 = tpu.memref_squeeze %dma_start3A_27 : memref<1x102x128xi32, #tpu.memory_space<hbm>> -> memref<102x128xi32, #tpu.memory_space<hbm>>
      %dma_start3A_29 = arith.constant 0 : i32
      %dma_start3A_30 = arith.constant 0 : i32
      %dma_start3A_31 = tpu.memref_slice %arg4[%add3A, %dma_start3A_29, %dma_start3A_30] : memref<32x102x128xi32, #tpu.memory_space<hbm>> -> memref<1x102x128xi32, #tpu.memory_space<hbm>>
      %dma_start3A_32 = tpu.memref_squeeze %dma_start3A_31 : memref<1x102x128xi32, #tpu.memory_space<hbm>> -> memref<102x128xi32, #tpu.memory_space<hbm>>
      tpu.enqueue_dma source(%dma_start3A_32 : memref<102x128xi32, #tpu.memory_space<hbm>>) target(%arg8 : memref<102x128xi32, #tpu.memory_space<vmem>>) target_semaphore(%run_scoped3A : memref<!tpu.dma_semaphore, #tpu.memory_space<semaphore_mem>>)
      %dma_wait3A = arith.constant 0 : i32
      %dma_wait3A_33 = arith.constant 0 : i32
      %dma_wait3A_34 = tpu.memref_slice %arg4[%add3A, %dma_wait3A, %dma_wait3A_33] : memref<32x102x128xi32, #tpu.memory_space<hbm>> -> memref<1x102x128xi32, #tpu.memory_space<hbm>>
      %dma_wait3A_35 = tpu.memref_squeeze %dma_wait3A_34 : memref<1x102x128xi32, #tpu.memory_space<hbm>> -> memref<102x128xi32, #tpu.memory_space<hbm>>
      %dma_wait3A_36 = arith.constant 0 : i32
      %dma_wait3A_37 = arith.constant 0 : i32
      %dma_wait3A_38 = tpu.memref_slice %arg4[%add3A, %dma_wait3A_36, %dma_wait3A_37] : memref<32x102x128xi32, #tpu.memory_space<hbm>> -> memref<1x102x128xi32, #tpu.memory_space<hbm>>
      %dma_wait3A_39 = tpu.memref_squeeze %dma_wait3A_38 : memref<1x102x128xi32, #tpu.memory_space<hbm>> -> memref<102x128xi32, #tpu.memory_space<hbm>>
      tpu.wait_dma2 semaphore(%run_scoped3A : memref<!tpu.dma_semaphore, #tpu.memory_space<semaphore_mem>>) src(%dma_wait3A_39 : memref<102x128xi32, #tpu.memory_space<hbm>>) dst(%arg8 : memref<102x128xi32, #tpu.memory_space<vmem>>)
      tpu.yield
    }) : () -> ()
    %mul3A_1 = arith.constant 632 : i32
    %mul3A_2 = arith.muli %arg1, %mul3A_1 : i32
    "tpu.region"() ({
      %run_scoped3A = tpu.sem_alloc : memref<!tpu.dma_semaphore, #tpu.memory_space<semaphore_mem>>
      %dma_start3A = arith.constant 0 : i32
      %dma_start3A_26 = tpu.memref_slice %arg10[%mul3A_2, %dma_start3A] : memref<10112x128xf32, #tpu.memory_space<vmem_shared>> -> memref<632x128xf32, #tpu.memory_space<vmem_shared>>
      tpu.enqueue_dma source(%arg5 : memref<632x128xf32, #tpu.memory_space<hbm>>) target(%dma_start3A_26 : memref<632x128xf32, #tpu.memory_space<vmem_shared>>) target_semaphore(%run_scoped3A : memref<!tpu.dma_semaphore, #tpu.memory_space<semaphore_mem>>)
      %dma_wait3A = arith.constant 0 : i32
      %dma_wait3A_27 = tpu.memref_slice %arg10[%mul3A_2, %dma_wait3A] : memref<10112x128xf32, #tpu.memory_space<vmem_shared>> -> memref<632x128xf32, #tpu.memory_space<vmem_shared>>
      tpu.wait_dma2 semaphore(%run_scoped3A : memref<!tpu.dma_semaphore, #tpu.memory_space<semaphore_mem>>) src(%arg5 : memref<632x128xf32, #tpu.memory_space<hbm>>) dst(%dma_wait3A_27 : memref<632x128xf32, #tpu.memory_space<vmem_shared>>)
      tpu.yield
    }) : () -> ()
    %barrier3A = arith.constant 0 : index
    tpu.barrier barrier_id(%barrier3A)
    %eq3A = arith.constant 0 : i32
    %eq3A_3 = arith.cmpi eq, %arg0, %eq3A : i32
    %jit3A = arith.constant 55 : i32
    %jit3A_4 = arith.constant 102 : i32
    %select_n3A = arith.select %eq3A_3, %jit3A, %jit3A_4 : i32
    %sub3A = arith.constant 0 : i32
    %sub3A_5 = arith.subi %select_n3A, %sub3A : i32
    %sub3A_6 = arith.constant 1 : i32
    %sub3A_7 = arith.constant 1 : i32
    %sub3A_8 = arith.subi %sub3A_6, %sub3A_7 : i32
    %add3A_9 = arith.addi %sub3A_5, %sub3A_8 : i32
    %div3A = arith.constant 1 : i32
    %div3A_10 = arith.divsi %add3A_9, %div3A : i32
    %while3A = arith.constant 1 : i32
    %while3A_11 = arith.constant 0 : i32
    %while3A_12 = arith.constant 0 : i32
    %while3A_13 = arith.subi %div3A_10, %while3A_12 : i32
    %while3A_14 = arith.addi %while3A_12, %while3A_13 : i32
    %while3A_15 = arith.constant 1 : i32
    %while3A_16 = arith.divsi %while3A_13, %while3A_15 : i32
    %while3A_17 = arith.muli %while3A_16, %while3A_15 : i32
    %while3A_18 = arith.addi %while3A_12, %while3A_17 : i32
    %while3A_19 = arith.constant 1 : i32
    scf.for %while3A_26 = %while3A_12 to %while3A_18 step %while3A_19  : i32 {
      %mul3A_27 = arith.muli %while3A_26, %while3A : i32
      %add3A_28 = arith.addi %while3A_11, %mul3A_27 : i32
      %dma_start3A = arith.constant 0 : i32
      %dma_start3A_29 = tpu.memref_slice %arg7[%add3A_28, %dma_start3A] : memref<102x128xi32, #tpu.memory_space<vmem>> -> memref<1x128xi32, #tpu.memory_space<vmem>>
      %dma_start3A_30 = tpu.memref_squeeze %dma_start3A_29 : memref<1x128xi32, #tpu.memory_space<vmem>> -> memref<128xi32, #tpu.memory_space<vmem>>
      %dma_start3A_31 = arith.constant 0 : i32
      %dma_start3A_32 = arith.constant 0 : i32
      %dma_start3A_33 = tpu.memref_slice %arg2[%dma_start3A_31, %dma_start3A_32] : memref<10000x128xf32, #tpu.memory_space<hbm>> -> memref<10000x128xf32, #tpu.memory_space<hbm>>
      tpu.enqueue_indirect_dma source(%dma_start3A_33 : memref<10000x128xf32, #tpu.memory_space<hbm>>) target(%arg9 : memref<128x128xf32, #tpu.memory_space<vmem>>) offsets(%dma_start3A_30 : memref<128xi32, #tpu.memory_space<vmem>>) semaphore(%arg11 : memref<!tpu.dma_semaphore, #tpu.memory_space<semaphore_mem>>)
      %dma_wait3A = arith.constant 0 : i32
      %dma_wait3A_34 = tpu.memref_slice %arg7[%add3A_28, %dma_wait3A] : memref<102x128xi32, #tpu.memory_space<vmem>> -> memref<1x128xi32, #tpu.memory_space<vmem>>
      %dma_wait3A_35 = tpu.memref_squeeze %dma_wait3A_34 : memref<1x128xi32, #tpu.memory_space<vmem>> -> memref<128xi32, #tpu.memory_space<vmem>>
      %dma_wait3A_36 = arith.constant 0 : i32
      %dma_wait3A_37 = arith.constant 0 : i32
      %dma_wait3A_38 = tpu.memref_slice %arg2[%dma_wait3A_36, %dma_wait3A_37] : memref<10000x128xf32, #tpu.memory_space<hbm>> -> memref<10000x128xf32, #tpu.memory_space<hbm>>
      tpu.wait_indirect_dma semaphore(%arg11 : memref<!tpu.dma_semaphore, #tpu.memory_space<semaphore_mem>>) src(%dma_wait3A_38 : memref<10000x128xf32, #tpu.memory_space<hbm>>) dst(%arg9 : memref<128x128xf32, #tpu.memory_space<vmem>>)
      "tpu.region"() ({
        %run_scoped3A = tpu.sem_alloc : memref<!tpu.dma_semaphore, #tpu.memory_space<semaphore_mem>>
        %dma_start3A_39 = arith.constant 0 : i32
        %dma_start3A_40 = tpu.memref_slice %arg8[%add3A_28, %dma_start3A_39] : memref<102x128xi32, #tpu.memory_space<vmem>> -> memref<1x128xi32, #tpu.memory_space<vmem>>
        %dma_start3A_41 = tpu.memref_squeeze %dma_start3A_40 : memref<1x128xi32, #tpu.memory_space<vmem>> -> memref<128xi32, #tpu.memory_space<vmem>>
        %dma_start3A_42 = arith.constant 0 : i32
        %dma_start3A_43 = arith.constant 0 : i32
        %dma_start3A_44 = tpu.memref_slice %arg10[%dma_start3A_42, %dma_start3A_43] : memref<10112x128xf32, #tpu.memory_space<vmem_shared>> -> memref<10112x128xf32, #tpu.memory_space<vmem_shared>>
        tpu.enqueue_indirect_dma source(%arg9 : memref<128x128xf32, #tpu.memory_space<vmem>>) target(%dma_start3A_44 : memref<10112x128xf32, #tpu.memory_space<vmem_shared>>) offsets(%dma_start3A_41 : memref<128xi32, #tpu.memory_space<vmem>>) semaphore(%run_scoped3A : memref<!tpu.dma_semaphore, #tpu.memory_space<semaphore_mem>>) {add = true}
        %dma_wait3A_45 = arith.constant 0 : i32
        %dma_wait3A_46 = tpu.memref_slice %arg8[%add3A_28, %dma_wait3A_45] : memref<102x128xi32, #tpu.memory_space<vmem>> -> memref<1x128xi32, #tpu.memory_space<vmem>>
        %dma_wait3A_47 = tpu.memref_squeeze %dma_wait3A_46 : memref<1x128xi32, #tpu.memory_space<vmem>> -> memref<128xi32, #tpu.memory_space<vmem>>
        %dma_wait3A_48 = arith.constant 0 : i32
        %dma_wait3A_49 = arith.constant 0 : i32
        %dma_wait3A_50 = tpu.memref_slice %arg10[%dma_wait3A_48, %dma_wait3A_49] : memref<10112x128xf32, #tpu.memory_space<vmem_shared>> -> memref<10112x128xf32, #tpu.memory_space<vmem_shared>>
        tpu.wait_indirect_dma semaphore(%run_scoped3A : memref<!tpu.dma_semaphore, #tpu.memory_space<semaphore_mem>>) src(%arg9 : memref<128x128xf32, #tpu.memory_space<vmem>>) dst(%dma_wait3A_50 : memref<10112x128xf32, #tpu.memory_space<vmem_shared>>)
        tpu.yield
      }) : () -> ()
    }
    %while3A_20 = arith.constant 1 : i32
    scf.for %while3A_26 = %while3A_18 to %while3A_14 step %while3A_20  : i32 {
      %mul3A_27 = arith.muli %while3A_26, %while3A : i32
      %add3A_28 = arith.addi %while3A_11, %mul3A_27 : i32
      %dma_start3A = arith.constant 0 : i32
      %dma_start3A_29 = tpu.memref_slice %arg7[%add3A_28, %dma_start3A] : memref<102x128xi32, #tpu.memory_space<vmem>> -> memref<1x128xi32, #tpu.memory_space<vmem>>
      %dma_start3A_30 = tpu.memref_squeeze %dma_start3A_29 : memref<1x128xi32, #tpu.memory_space<vmem>> -> memref<128xi32, #tpu.memory_space<vmem>>
      %dma_start3A_31 = arith.constant 0 : i32
      %dma_start3A_32 = arith.constant 0 : i32
      %dma_start3A_33 = tpu.memref_slice %arg2[%dma_start3A_31, %dma_start3A_32] : memref<10000x128xf32, #tpu.memory_space<hbm>> -> memref<10000x128xf32, #tpu.memory_space<hbm>>
      tpu.enqueue_indirect_dma source(%dma_start3A_33 : memref<10000x128xf32, #tpu.memory_space<hbm>>) target(%arg9 : memref<128x128xf32, #tpu.memory_space<vmem>>) offsets(%dma_start3A_30 : memref<128xi32, #tpu.memory_space<vmem>>) semaphore(%arg11 : memref<!tpu.dma_semaphore, #tpu.memory_space<semaphore_mem>>)
      %dma_wait3A = arith.constant 0 : i32
      %dma_wait3A_34 = tpu.memref_slice %arg7[%add3A_28, %dma_wait3A] : memref<102x128xi32, #tpu.memory_space<vmem>> -> memref<1x128xi32, #tpu.memory_space<vmem>>
      %dma_wait3A_35 = tpu.memref_squeeze %dma_wait3A_34 : memref<1x128xi32, #tpu.memory_space<vmem>> -> memref<128xi32, #tpu.memory_space<vmem>>
      %dma_wait3A_36 = arith.constant 0 : i32
      %dma_wait3A_37 = arith.constant 0 : i32
      %dma_wait3A_38 = tpu.memref_slice %arg2[%dma_wait3A_36, %dma_wait3A_37] : memref<10000x128xf32, #tpu.memory_space<hbm>> -> memref<10000x128xf32, #tpu.memory_space<hbm>>
      tpu.wait_indirect_dma semaphore(%arg11 : memref<!tpu.dma_semaphore, #tpu.memory_space<semaphore_mem>>) src(%dma_wait3A_38 : memref<10000x128xf32, #tpu.memory_space<hbm>>) dst(%arg9 : memref<128x128xf32, #tpu.memory_space<vmem>>)
      "tpu.region"() ({
        %run_scoped3A = tpu.sem_alloc : memref<!tpu.dma_semaphore, #tpu.memory_space<semaphore_mem>>
        %dma_start3A_39 = arith.constant 0 : i32
        %dma_start3A_40 = tpu.memref_slice %arg8[%add3A_28, %dma_start3A_39] : memref<102x128xi32, #tpu.memory_space<vmem>> -> memref<1x128xi32, #tpu.memory_space<vmem>>
        %dma_start3A_41 = tpu.memref_squeeze %dma_start3A_40 : memref<1x128xi32, #tpu.memory_space<vmem>> -> memref<128xi32, #tpu.memory_space<vmem>>
        %dma_start3A_42 = arith.constant 0 : i32
        %dma_start3A_43 = arith.constant 0 : i32
        %dma_start3A_44 = tpu.memref_slice %arg10[%dma_start3A_42, %dma_start3A_43] : memref<10112x128xf32, #tpu.memory_space<vmem_shared>> -> memref<10112x128xf32, #tpu.memory_space<vmem_shared>>
        tpu.enqueue_indirect_dma source(%arg9 : memref<128x128xf32, #tpu.memory_space<vmem>>) target(%dma_start3A_44 : memref<10112x128xf32, #tpu.memory_space<vmem_shared>>) offsets(%dma_start3A_41 : memref<128xi32, #tpu.memory_space<vmem>>) semaphore(%run_scoped3A : memref<!tpu.dma_semaphore, #tpu.memory_space<semaphore_mem>>) {add = true}
        %dma_wait3A_45 = arith.constant 0 : i32
        %dma_wait3A_46 = tpu.memref_slice %arg8[%add3A_28, %dma_wait3A_45] : memref<102x128xi32, #tpu.memory_space<vmem>> -> memref<1x128xi32, #tpu.memory_space<vmem>>
        %dma_wait3A_47 = tpu.memref_squeeze %dma_wait3A_46 : memref<1x128xi32, #tpu.memory_space<vmem>> -> memref<128xi32, #tpu.memory_space<vmem>>
        %dma_wait3A_48 = arith.constant 0 : i32
        %dma_wait3A_49 = arith.constant 0 : i32
        %dma_wait3A_50 = tpu.memref_slice %arg10[%dma_wait3A_48, %dma_wait3A_49] : memref<10112x128xf32, #tpu.memory_space<vmem_shared>> -> memref<10112x128xf32, #tpu.memory_space<vmem_shared>>
        tpu.wait_indirect_dma semaphore(%run_scoped3A : memref<!tpu.dma_semaphore, #tpu.memory_space<semaphore_mem>>) src(%arg9 : memref<128x128xf32, #tpu.memory_space<vmem>>) dst(%dma_wait3A_50 : memref<10112x128xf32, #tpu.memory_space<vmem_shared>>)
        tpu.yield
      }) : () -> ()
    }
    %barrier3A_21 = arith.constant 0 : index
    tpu.barrier barrier_id(%barrier3A_21)
    %mul3A_22 = arith.constant 632 : i32
    %mul3A_23 = arith.muli %arg1, %mul3A_22 : i32
    %mul3A_24 = arith.constant 632 : i32
    %mul3A_25 = arith.muli %arg1, %mul3A_24 : i32
    "tpu.region"() ({
      %run_scoped3A = tpu.sem_alloc : memref<!tpu.dma_semaphore, #tpu.memory_space<semaphore_mem>>
      %dma_start3A = arith.constant 0 : i32
      %dma_start3A_26 = tpu.memref_slice %arg6[%arg0, %mul3A_25, %dma_start3A] : memref<2x10112x128xf32, #tpu.memory_space<hbm>> -> memref<1x632x128xf32, #tpu.memory_space<hbm>>
      %dma_start3A_27 = tpu.memref_squeeze %dma_start3A_26 : memref<1x632x128xf32, #tpu.memory_space<hbm>> -> memref<632x128xf32, #tpu.memory_space<hbm>>
      %dma_start3A_28 = arith.constant 0 : i32
      %dma_start3A_29 = tpu.memref_slice %arg10[%mul3A_23, %dma_start3A_28] : memref<10112x128xf32, #tpu.memory_space<vmem_shared>> -> memref<632x128xf32, #tpu.memory_space<vmem_shared>>
      tpu.enqueue_dma source(%dma_start3A_29 : memref<632x128xf32, #tpu.memory_space<vmem_shared>>) target(%dma_start3A_27 : memref<632x128xf32, #tpu.memory_space<hbm>>) target_semaphore(%run_scoped3A : memref<!tpu.dma_semaphore, #tpu.memory_space<semaphore_mem>>)
      %dma_wait3A = arith.constant 0 : i32
      %dma_wait3A_30 = tpu.memref_slice %arg6[%arg0, %mul3A_25, %dma_wait3A] : memref<2x10112x128xf32, #tpu.memory_space<hbm>> -> memref<1x632x128xf32, #tpu.memory_space<hbm>>
      %dma_wait3A_31 = tpu.memref_squeeze %dma_wait3A_30 : memref<1x632x128xf32, #tpu.memory_space<hbm>> -> memref<632x128xf32, #tpu.memory_space<hbm>>
      %dma_wait3A_32 = arith.constant 0 : i32
      %dma_wait3A_33 = tpu.memref_slice %arg10[%mul3A_23, %dma_wait3A_32] : memref<10112x128xf32, #tpu.memory_space<vmem_shared>> -> memref<632x128xf32, #tpu.memory_space<vmem_shared>>
      tpu.wait_dma2 semaphore(%run_scoped3A : memref<!tpu.dma_semaphore, #tpu.memory_space<semaphore_mem>>) src(%dma_wait3A_33 : memref<632x128xf32, #tpu.memory_space<vmem_shared>>) dst(%dma_wait3A_31 : memref<632x128xf32, #tpu.memory_space<hbm>>)
      tpu.yield
    }) : () -> ()
    return
  }
}

</mosaic_0001>

<sc_bundles>
// kernel: _sc_scatter_add.3.cloned.1.call-start
scs
__scs_entry_jumppad:
0x0: {  	(pc) =	sbr.rel $0x88, $3  }
0x1: {  	(tag) =	ssettag $0x0;
	lr =	simm.s32 $0x1  }
0x2: {  	[smem:$0x3F9D] =	sst lr;
	_ =	strace $0xD0000000  }
0x3: {  	_ = 	snop  }
0x4: {  	_ = 	snop  }
0x5: {  	_ = 	snop  }
0x6: {  	_ = 	snop  }
0x7: {  	_ = 	snop  }
__scs_overlays_trampoline_lowered:
0x8: {  	[smem:$0x3FAC] =	sst s0  }
0x9: {  	[smem:$0x3FAD] =	sst s1  }
0xa: {  	[smem:$0x3FAE] =	sst s2  }
0xb: {  	[smem:$0x3FAF] =	sst s3  }
0xc: {  	[smem:$0x3FB0] =	sst s4  }
0xd: {  	[smem:$0x3FB1] =	sst s5  }
0xe: {  	[smem:$0x3FB2] =	sst s6  }
0xf: {  	[smem:$0x3FB3] =	sst s7  }
0x10: {  	[smem:$0x3FB4] =	sst s8  }
0x11: {  	[smem:$0x3FB5] =	sst s9;
	s0 =	simm.s32 @!p0 $0x0  }
0x12: {  	s1 =	sld [smem:$0x3F9B];
	s0 =	simm.s32 @p0 $0x1  }
0x13: {  	[smem:$0x3FB6] =	sst s0;
	s0 =	simm.s32 @!p1 $0x0  }
0x14: {  	s2 =	sld [smem:$0x3F9A];
	s0 =	simm.s32 @p1 $0x1  }
0x15: {  	[smem:$0x3FB7] =	sst s0;
	s0 =	simm.s32 @!p2 $0x0  }
0x16: {  	s3 =	sld [smem:$0x3FDB];
	s0 =	simm.s32 @p2 $0x1  }
0x17: {  	s4 =	simm.s32 $0x1BF5;
	[smem:$0x3FB9] =	sst s0  }
0x18: {  	s0 =	sld [smem:$0x3F9C];
	_ =	swait.ge [sflag:s4], $0x0  }
0x19: {  	s7 =	sld [smem:$0x3F9D]  }
0x1a: {  	s8 =	sadd.s32 $0xFFFFE003, lr  }
0x1b: {  	s9 =	sadd.s32 $0xFFFFFEF7, lr;
	s5 =	simm.s32 $0xFFFFFFFF;
	p2 =	slt.u32 s8, $0xFFFFF086  }
0x1c: {  	p1 =	slt.u32 s9, $0xF7A;
	s5 =	simm.s32 @!p2 $0x0  }
0x1d: {  	s5 =	simm.s32 @p1 $0x1;
	p0 =	seq.s32 s7, s2  }
0x1e: {  	s7 =	smul.u32 @!p0 $0xF7A, s2;
	p2 =	seq.s32 @!p0 s5, $0x0  }
0x1f: {  	s9 =	smul.u32 $0xF7A, s1;
	s8 =	simm.s32 @!p0 $0x1BF5;
	p2 =	por !p2, p0  }
0x20: {  	[sflag:s8] =	ssyncset.s32 @!p0 $0xFFFFF086;
	s6 =	sadd.s32 @!p0 s3, s7;
	s7 =	simm.s32 @!p0 $0x108  }
0x21: {  	s3 =	sadd.s32 s3, s9;
	s6 =	sadd.s32 @!p0 $0x88, s6;
	s7 =	simm.s32 @p2 $0x1082  }
0x22: {  	[simem:s7], [sflag:s8] =	dma.local @!p0 [hbm:s6], $0xF7A  }
0x23: {  	s9 =	sor.u32 $0xD0000000, s2;
	s6 =	simm.s32 $0x108;
	_ =	swait.ge @!p0 [sflag:s8], $0x0  }
0x24: {  	s3 =	sadd.s32 $0x88, s3;
	s6 =	simm.s32 @!p1 $0x1082;
	[sflag:s4] =	ssyncset.s32 $0xFFFFF086  }
0x25: {  	[simem:s6], [sflag:s4] =	dma.local [hbm:s3], $0xF7A  }
0x26: {  	[smem:$0x3F9D] =	sst s1;
	(tag) =	ssettag s2;
	_ =	strace s9  }
0x27: {  	s1 =	sld [smem:$0x3FAD]  }
0x28: {  	s2 =	sld [smem:$0x3FAE]  }
0x29: {  	s4 =	sld [smem:$0x3FB0]  }
0x2a: {  	p0 =	seq.s32 s5, $0x0;
	s5 =	sld [smem:$0x3FB1]  }
0x2b: {  	s6 =	sld [smem:$0x3FB2]  }
0x2c: {  	s7 =	sld [smem:$0x3FB3]  }
0x2d: {  	s3 =	simm.s32 $0x108;
	s8 =	sld [smem:$0x3FB4]  }
0x2e: {  	s3 =	simm.s32 @!p0 $0x1082;
	s9 =	sld [smem:$0x3FB5]  }
0x2f: {  	lr =	sadd.s32 s0, s3;
	s0 =	sld [smem:$0x3FAC]  }
0x30: {  	s3 =	sld [smem:$0x3FAF]  }
0x31: {  	[smem:$0x3FB8] =	sst s10  }
0x32: {  	s10 =	sld [smem:$0x3FB6];
	_ =	sdelay $0x3  }
0x33: {  	p0 =	seq.s32 s10, $0x1;
	s10 =	sld [smem:$0x3FB8];
	_ =	sdelay $0x3  }
0x34: {  	[smem:$0x3FB8] =	sst s10  }
0x35: {  	s10 =	sld [smem:$0x3FB7];
	_ =	sdelay $0x3  }
0x36: {  	p1 =	seq.s32 s10, $0x1;
	s10 =	sld [smem:$0x3FB8];
	_ =	sdelay $0x3  }
0x37: {  	[smem:$0x3FB8] =	sst s10  }
0x38: {  	s10 =	sld [smem:$0x3FB9]  }
0x39: {  	_ = 	snop;
	(pc) =	sbr.ind lr, $3  }
0x3a: {  	_ = 	snop  }
0x3b: {  	_ = 	snop  }
0x3c: {  	p2 =	seq.s32 s10, $0x1;
	s10 =	sld [smem:$0x3FB8]  }
0x3d: {  	_ =	shalt  }
0x3e: {  	_ =	shalt  }
0x3f: {  	_ =	shalt  }
0x40: {  	_ =	shalt  }
0x41: {  	_ =	shalt  }
0x42: {  	_ =	shalt  }
0x43: {  	_ =	shalt  }
0x44: {  	_ =	shalt  }
0x45: {  	_ =	shalt  }
0x46: {  	_ =	shalt  }
0x47: {  	_ =	shalt  }
0x48: {  	_ =	shalt  }
0x49: {  	_ =	shalt  }
0x4a: {  	_ =	shalt  }
0x4b: {  	_ =	shalt  }
0x4c: {  	_ =	shalt  }
0x4d: {  	_ =	shalt  }
0x4e: {  	_ =	shalt  }
0x4f: {  	_ =	shalt  }
0x50: {  	_ =	shalt  }
0x51: {  	_ =	shalt  }
0x52: {  	_ =	shalt  }
0x53: {  	_ =	shalt  }
0x54: {  	_ =	shalt  }
0x55: {  	_ =	shalt  }
0x56: {  	_ =	shalt  }
0x57: {  	_ =	shalt  }
0x58: {  	_ =	shalt  }
0x59: {  	_ =	shalt  }
0x5a: {  	_ =	shalt  }
0x5b: {  	_ =	shalt  }
0x5c: {  	_ =	shalt  }
0x5d: {  	_ =	shalt  }
0x5e: {  	_ =	shalt  }
0x5f: {  	_ =	shalt  }
0x60: {  	_ =	shalt  }
0x61: {  	_ =	shalt  }
0x62: {  	_ =	shalt  }
0x63: {  	_ =	shalt  }
0x64: {  	_ =	shalt  }
0x65: {  	_ =	shalt  }
0x66: {  	_ =	shalt  }
0x67: {  	_ =	shalt  }
0x68: {  	_ =	shalt  }
0x69: {  	_ =	shalt  }
0x6a: {  	_ =	shalt  }
0x6b: {  	_ =	shalt  }
0x6c: {  	_ =	shalt  }
0x6d: {  	_ =	shalt  }
0x6e: {  	_ =	shalt  }
0x6f: {  	_ =	shalt  }
0x70: {  	_ =	shalt  }
0x71: {  	_ =	shalt  }
0x72: {  	_ =	shalt  }
0x73: {  	_ =	shalt  }
0x74: {  	_ =	shalt  }
0x75: {  	_ =	shalt  }
0x76: {  	_ =	shalt  }
0x77: {  	_ =	shalt  }
0x78: {  	_ =	shalt  }
0x79: {  	_ =	shalt  }
0x7a: {  	_ =	shalt  }
0x7b: {  	_ =	shalt  }
0x7c: {  	_ =	shalt  }
0x7d: {  	_ =	shalt  }
0x7e: {  	_ =	shalt  }
0x7f: {  	_ =	shalt  }
0x80: {  	_ =	shalt  }
0x81: {  	_ =	shalt  }
0x82: {  	_ =	shalt  }
0x83: {  	_ =	shalt  }
0x84: {  	_ =	shalt  }
0x85: {  	_ =	shalt  }
0x86: {  	_ =	shalt  }
0x87: {  	_ =	shalt  }
.Lfunc_end0:
.L_simem_size_0:
called_computation_lowered:
.L_overlay_start_0:
0x88: {  	s2 =	sld [smem:$0x3FD9]  }
0x89: {  	s3 =	sld [smem:$0x3FFE];
	_ =	sdelay $0x1  }
0x8a: {  	s1 =	srdreg.scid  }
0x8b: {  	s0 =	sand.u32 $0x1, s1  }
0x8c: {  	s17 =	sshll.u32 s0, $0xA;
	s2 =	sadd.s32 s3, s2  }
0x8d: {  	s2 =	sadd.s32 s2, s17  }
0x8e: {  	[smem:$0x3FC4] =	sst s2  }
0x8f: {  	_ = 	snop  }
0x90: {  	s2 =	sld [smem:$0x3FC9]  }
0x91: {  	s18 =	sld [smem:$0x3FC6]  }
0x92: {  	s4 =	sld [smem:$0x3FD0];
	(tm) =	ssettm $0x1  }
0x93: {  	s5 =	sld [smem:$0x3FFB];
	_ =	sdelay $0x3  }
0x94: {  	_ =	strace s5  }
0x95: {  	s5 =	sld [smem:$0x3FFC];
	_ =	sdelay $0x3  }
0x96: {  	_ =	strace s5  }
0x97: {  	s5 =	sld [smem:$0x3FFD];
	_ =	sdelay $0x3  }
0x98: {  	_ =	strace s5  }
0x99: {  	_ =	strace $0x8FFFFFFF  }
0x9a: {  	s19 =	sld [smem:$0x3FDB];
	_ =	sdelay $0x1  }
0x9b: {  	s6 =	simm.s32 $_scs_section_size  }
0x9c: {  	s7 =	simm.s32 $_size__tile_overlayer_lowered;
	s8 =	simm.s32 $_tile_overlayer_lowered  }
0x9d: {  	s22 =	simm.s32 $0x1BFF;
	s21 =	sshll.u32 s8, $0x1;
	s5 =	sadd.s32 s6, s19  }
0x9e: {  	s9 =	simm.s32 $0x0;
	s20 =	sshll.u32 s7, $0x1;
	s7 =	sadd.s32 s21, s5  }
0x9f: {  	[timem:s9], [sflag:s22] =	dma.local [hbm:s7], s20  }
0xa0: {  	_ =	swait.ge [sflag:s22], s20  }
0xa1: {  	s6 =	ssub.s32 $0x0, s20;
	[sflag:s22] =	ssyncset.done $0x0  }
0xa2: {  	[sflag:s22] =	ssyncadd.s32 s6;
	_ =	sdelay $0x1  }
0xa3: {  	s23 =	simm.s32 $0x1B8B  }
0xa4: {  	_ =	swait.ge [sflag:s23], $0x1  }
0xa5: {  	[sflag:s23] =	ssyncset.done $0x0  }
0xa6: {  	s25 =	simm.s32 $0x1B8E;
	s24 =	sld [smem:$0x3FFE];
	[sflag:s23] =	ssyncadd.s32 $0xFFFFFFFF  }
0xa7: {  	s26 =	simm.s32 $execute0_lowered;
	[smem:$0x3FD2] =	sst s25  }
0xa8: {  	s7 =	sshll.u32 s26, $0x1;
	_ =	strace $0x80000046;
	[dreg:$0x1] =	wrdreg $0xFFFFFFFF  }
0xa9: {  	s28 =	simm.s32 $_size_execute0_lowered;
	s5 =	sadd.s32 s5, s7;
	[dreg:$0x0] =	wrdreg $0x0  }
0xaa: {  	s7 =	sshll.u32 s28, $0x1;
	[dreg:$0x2] =	wrdreg s5  }
0xab: {  	[dreg:$0x3] =	wrdreg s7  }
0xac: {  	[dreg:$0x4] =	wrdreg $0xC0  }
0xad: {  	_ =	task [dreg:s9], $0x5FFFF  }
0xae: {  	[dreg:$0x1] =	wrdreg $0xFFFFFFFF  }
0xaf: {  	[dreg:$0x0] =	wrdreg $0x60  }
0xb0: {  	[dreg:$0x2] =	wrdreg s2  }
0xb1: {  	[dreg:$0x3] =	wrdreg s24  }
0xb2: {  	[dreg:$0x4] =	wrdreg s18  }
0xb3: {  	[dreg:$0x5] =	wrdreg s4  }
0xb4: {  	[dreg:$0x6] =	wrdreg $0xA8000  }
0xb5: {  	[dreg:$0x7] =	wrdreg $0x9  }
0xb6: {  	_ =	task.clear_ibuf [dreg:s9], $0x8FFFF;
	_ =	strace $0x90000046  }
0xb7: {  	s29 =	simm.s32 $0x9;
	_ =	strace $0x80000048  }
0xb8: {  	_ =	swait.ge [sflag:s29], $0x1  }
0xb9: {  	[sflag:s29] =	ssyncadd.s32 $0xFFFFFFFF  }
0xba: {  	_ =	strace $0x90000048  }
0xbb: {  	_ =	sfence  }
0xbc: {  	s30 =	sld [smem:$0x0];
	_ =	sdelay $0x2  }
0xbd: {  	s31 =	sshll.u32 s1, $0xD;
	s1 =	sshrl.u32 s1, $0x2  }
0xbe: {  	s3 =	sand.u32 $0x4000, s31;
	s1 =	sadd.s32 s1, s30  }
0xbf: {  	s0 =	sor.u32 s3, s0;
	s1 =	sshll.u32 s1, $0x11  }
0xc0: {  	s0 =	sor.u32 s1, s0  }
0xc1: {  	s0 =	sadd.s32 $0x8F2B, s0  }
0xc2: {  	[sflag:s0] =	ssyncadd.remote.s32 $0x1  }
0xc3: {  	_ =	sfence.sel $0xFFFF  }
0xc4: {  	[dreg:$0x0] =	wrdreg $0xFFFFFFFF;
	(pc) =	sbr.abs _section_cstart, $3  }
0xc5: {  	[dreg:$0x1] =	wrdreg $0xFFFFFFFF  }
0xc6: {  	_ =	task.clear_ibuf [dreg:s9], $0x2FFFF;
	_ =	strace $0x9FFFFFFF  }
0xc7: {  	(tm) =	ssettm $0x7FFFFFFF  }
tec
execute0_lowered:
.L_overlay_start_1:
0x0: {  	(tag) =	ssettag $0x1  }
0x1: {  	s0 =	rddreg [dreg:$0x0]  }
0x2: {  	s6 =	rddreg [dreg:$0x1]  }
0x3: {  	s2 =	rddreg [dreg:$0x2]  }
0x4: {  	s1 =	srdreg.scid;
	s9 =	rddreg [dreg:$0x3]  }
0x5: {  	s4 =	rddreg [dreg:$0x4];
	s5 =	simm.s32 $0x0;
	s14 =	simm.s32 $0x80  }
0x6: {  	s15 =	simm.s32 $0x6800;
	s8 =	sand.u32 $0x1, s1;
	s1 =	stileid.u32  }
0x7: {  	s16 =	simm.s32 $0x1;
	s17 =	simm.s32 $0x0;
	s10 =	smul.u32 $0x4F000, s1  }
0x8: {  	[smem:$0x7FF] =	sst s5;
	s3 =	sshll.u32 s8, $0x4;
	s12 =	smul.u32 $0x13C000, s8  }
0x9: {  	s11 =	ssub.s32 $0x2, s8;
	s13 =	smul.u32 $0x13C00, s1;
	p0 =	seq.s32 s8, $0x0  }
0xa: {  	s8 =	simm.s32 $0x37;
	s31 =	sshll.u32 s1, $0x6;
	s3 =	sor.u32 s1, s3  }
0xb: {  	s29 =	sshrl.u32 s11, $0x1;
	s8 =	simm.s32 @!p0 $0x66;
	s7 =	smul.u32 $0x680, s3  }
0xc: {  	s3 =	rddreg [dreg:$0x5];
	_ =	strace $0x80000047;
	s12 =	sadd.s32 s13, s12  }
0xd: {  	s11 =	ssub.s32 s11, s29;
	s10 =	sshrl.u32 s10, $0x2;
	s12 =	sshrl.u32 s12, $0x3  }
0xe: {  	s30 =	sadd.s32 s10, s4;
	s10 =	smax.u32 s11, $0x1;
	s11 =	simm.s32 $0x2  }
0xf: {  	s7 =	sadd.s32 s7, s6;
	s9 =	sadd.s32 s9, s12;
	s12 =	sor.u32 $0x1C02, s31  }
0x10: {  	s13 =	sshrl.u32 s30, $0x3;
	s6 =	sadd.s32 $0x600, s7;
	s7 =	sadd.s32 $0xD600, s7  }
.LBB2_1:
0x11: {  	[tilespmem:s5], [sflag:$0x2] =	stream.linear.gather [hbm4b:s6+s5], $0x3300, $0x38;
	[tilespmem:$0x1E400] =	vst v63  }
0x12: {  	_ =	swait.ge [sflag:s11], $0x3300  }
0x13: {  	[sflag:s11] =	ssyncset.done $0x0  }
0x14: {  	s18 =	simm.s32 $0x3400;
	[sflag:s11] =	ssyncadd.s32 $0xFFFFCD00  }
0x15: {  	[tilespmem:s18], [sflag:$0x2] =	stream.linear.gather [hbm4b:s7+s5], $0x3300, $0x38;
	[tilespmem:$0x1E400] =	vst v63  }
0x16: {  	_ =	swait.ge [sflag:s11], $0x3300  }
0x17: {  	[sflag:s11] =	ssyncset.done $0x0  }
0x18: {  	[sflag:s11] =	ssyncadd.s32 $0xFFFFCD00  }
0x19: {  	[spmem:s13], [sflag:s12] =	dma.local [hbm:s2], $0x2780  }
0x1a: {  	_ =	swait.ge [sflag:s11], $0x2780  }
0x1b: {  	[sflag:s11] =	ssyncset.done $0x0  }
0x1c: {  	[sflag:s11] =	ssyncadd.s32 $0xFFFFD880  }
0x1d: {  	[bflag:$0x0] =	sbarrier.arrive $0xFFFF  }
0x1e: {  	[tilespmem:s15], [sflag:$0x1] =	stream.indirect.gather [hbm4b:s0+s14], $0x80, s5, s14, $0xb8;
	[tilespmem:$0x1E400] =	vst v63  }
0x1f: {  	p0 =	sne.s32 s8, $0x1;
	_ =	swait.ge [sflag:s16], $0x4000  }
.Ltmp0:
0x20: {  	[sflag:s16] =	ssyncset.done $0x0;
	(pc) =	sbr.rel @!p0 .LBB2_3-.Ltmp0, $4  }
0x21: {  	[sflag:s16] =	ssyncadd.s32 $0xFFFFC000  }
0x22: {  	[spmem:s4] =	stream.indirect.scatter.add.f32 [tilespmem:s15], [sflag:$0x2], $0x80, s18, s14, $0xb8;
	[tilespmem:$0x1E400] =	vst v63  }
0x23: {  	_ =	swait.ge [sflag:s11], $0x4000  }
0x24: {  	s19 =	sadd.s32 $0xFFFFFFFF, s8;
	s20 =	simm.s32 $0x0;
	[sflag:s11] =	ssyncset.done $0x0  }
.LBB2_2:
0x25: {  	[sflag:s11] =	ssyncadd.s32 $0xFFFFC000;
	s20 =	sadd.s32 $0x80, s20;
	s18 =	sadd.s32 $0x80, s18  }
0x26: {  	[tilespmem:s15], [sflag:$0x1] =	stream.indirect.gather [hbm4b:s0+s14], $0x80, s20, s14, $0xb8;
	[tilespmem:$0x1E400] =	vst v63  }
0x27: {  	p0 =	sne.s32 s19, $0x1;
	s19 =	sadd.s32 $0xFFFFFFFF, s19;
	_ =	swait.ge [sflag:s16], $0x4000  }
.Ltmp1:
0x28: {  	[sflag:s16] =	ssyncset.done $0x0;
	(pc) =	sbr.rel @p0 .LBB2_2-.Ltmp1, $4  }
0x29: {  	[sflag:s16] =	ssyncadd.s32 $0xFFFFC000  }
0x2a: {  	[spmem:s4] =	stream.indirect.scatter.add.f32 [tilespmem:s15], [sflag:$0x2], $0x80, s18, s14, $0xb8;
	[tilespmem:$0x1E400] =	vst v63  }
0x2b: {  	_ =	swait.ge [sflag:s11], $0x4000  }
0x2c: {  	[sflag:s11] =	ssyncset.done $0x0  }
.LBB2_3:
0x2d: {  	s17 =	sadd.s32 $0x1, s17  }
0x2e: {  	[sflag:s11] =	ssyncadd.s32 $0xFFFFC000;
	p0 =	sne.s32 s17, s10  }
.Ltmp2:
0x2f: {  	[bflag:$0x0] =	sbarrier.arrive $0xFFFF;
	(pc) =	sbr.rel @p0 .LBB2_1-.Ltmp2, $4  }
0x30: {  	[hbm:s9], [sflag:s12] =	dma.local [spmem:s13], $0x2780  }
0x31: {  	_ =	swait.ge [sflag:s11], $0x2780  }
0x32: {  	[sflag:s11] =	ssyncset.done $0x0  }
0x33: {  	[sflag:s11] =	ssyncadd.s32 $0xFFFFD880  }
0x34: {  	_ =	sfence.sel $0x180000  }
0x35: {  	[bflag:$0x0] =	sbarrier.arrive $0xFFFF  }
0x36: {  	p0 =	sne.s32 s1, $0x0;
	_ =	strace $0x90000047  }
0x37: {  	s0 =	sadd.s32 @!p0 $0x100000, s3;
	[bflag:$0x2] =	sbarrier.arrive $0xFFFF  }
0x38: {  	[sflag:s0] =	ssyncadd.tile.s32 @!p0 $0x1;
	_ =	shalt  }
.Lfunc_end2:
_tile_overlayer_lowered:
.L_overlay_start_2:
0x39: {  	(tag) =	ssettag $0x2  }
0x3a: {  	s0 =	rddreg [dreg:$0x0];
	s2 =	stileid.u32  }
0x3b: {  	s1 =	rddreg [dreg:$0x1];
	p0 =	sne.s32 s2, $0x0  }
0x3c: {  	s3 =	rddreg [dreg:$0x2];
	[bflag:$0x3] =	sbarrier.arrive $0xFFFF;
	s2 =	simm.s32 @!p0 $0x1C02  }
0x3d: {  	[timem:s3], [sflag:s2] =	dma.local @!p0 [hbm:s0], s1  }
0x3e: {  	s0 =	simm.s32 @!p0 $0x2  }
0x3f: {  	_ =	swait.ge @!p0 [sflag:s0], s1  }
0x40: {  	s1 =	ssub.s32 @!p0 $0x0, s1;
	[sflag:s0] =	ssyncset.done @!p0 $0x0  }
0x41: {  	[sflag:s0] =	ssyncadd.s32 @!p0 s1  }
0x42: {  	[bflag:$0x3] =	sbarrier.arrive $0xFFFF  }
0x43: {  	_ =	shalt  }

</sc_bundles>
